<compile_context>
chip_gen: v7x
topology: tpu7x:2x2x1
jax: 0.10.2.dev20260603
libtpu: 0.0.44.dev20260713+nightly
codegen_flags: <defaults>
</compile_context>

<pallas_src>
import functools

import jax
import jax.numpy as jnp
import numpy as np
from jax import lax
from jax.experimental import pallas as pl
from jax.experimental.pallas import tpu as pltpu
from jax.experimental.pallas import tpu_sc as plsc

NN = 10000
EE = 320000
DIN = 128
HH = 64
GG = 64
CC = 2
BN_EPS_ = 1e-5

NPAD = 10240
RT = NPAD // 16
K = 80
CH = (EE // 32) // K
RB = 2000


def _sc_mesh():
    return plsc.VectorSubcoreMesh(core_axis_name="c", subcore_axis_name="s")


_SC_PARAMS = pltpu.CompilerParams(use_tc_tiling_on_sc=False)


def _deg_body(dst_hbm, out_hbm, didx_v, ones_v, zrow_v, deg_sp):
    c = lax.axis_index("c")
    s = lax.axis_index("s")
    wid = s * 2 + c
    for i in range(K // 16):
        ones_v[pl.ds(i * 16, 16)] = jnp.ones((16,), jnp.float32)
        zrow_v[pl.ds(i * 16, 16)] = jnp.zeros((16,), jnp.float32)
    for j in range(RT // K):
        pltpu.sync_copy(zrow_v, deg_sp.at[pl.ds(s * RT + j * K, K)])
    pltpu.sync_copy(dst_hbm.at[wid], didx_v)
    plsc.subcore_barrier()

    def body(i, carry):
        pltpu.sync_copy(ones_v, deg_sp.at[didx_v.at[i]], add=True)
        return carry

    lax.fori_loop(0, CH, body, 0)
    plsc.subcore_barrier()
    pltpu.sync_copy(deg_sp.at[pl.ds(s * RT, RT)],
                    out_hbm.at[c].at[pl.ds(s * RT, RT)])


@jax.jit
def _deg_call(dst3d):
    return pl.kernel(
        _deg_body,
        out_type=jax.ShapeDtypeStruct((2, NPAD), jnp.float32),
        mesh=_sc_mesh(),
        scratch_types=[
            pltpu.VMEM((CH, K), jnp.int32),
            pltpu.VMEM((K,), jnp.float32),
            pltpu.VMEM((K,), jnp.float32),
            pltpu.VMEM_SHARED((NPAD,), jnp.float32),
        ],
        compiler_params=_SC_PARAMS,
    )(dst3d)


def _agg_body(u_hbm, sidx_hbm, didx_hbm, out_hbm,
              sidx_v, didx_v, rows0, rows1, zbuf, agg_sp, sem0, sem1):
    c = lax.axis_index("c")
    s = lax.axis_index("s")
    wid = s * 2 + c
    for r in range(16):
        for k in range(HH // 16):
            zbuf[r, pl.ds(k * 16, 16)] = jnp.zeros((16,), jnp.float32)
    for j in range(RT // 16):
        pltpu.sync_copy(zbuf, agg_sp.at[pl.ds(s * RT + j * 16, 16)])
    pltpu.sync_copy(sidx_hbm.at[wid], sidx_v)
    pltpu.sync_copy(didx_hbm.at[wid], didx_v)
    plsc.subcore_barrier()

    pltpu.make_async_copy(u_hbm.at[sidx_v.at[0]], rows0, sem0).start()

    def body(k, carry):
        i0 = 2 * k
        i1 = 2 * k + 1
        pltpu.make_async_copy(u_hbm.at[sidx_v.at[i1]], rows1, sem1).start()
        pltpu.make_async_copy(u_hbm.at[sidx_v.at[i0]], rows0, sem0).wait()
        pltpu.make_async_copy(u_hbm.at[sidx_v.at[i1 + 1]], rows0, sem0).start()
        pltpu.make_async_copy(u_hbm.at[sidx_v.at[i1]], rows1, sem1).wait()
        return carry

    lax.fori_loop(0, CH // 2, body, 0)
    pltpu.make_async_copy(u_hbm.at[sidx_v.at[CH - 1]], rows0, sem0).wait()
    pltpu.sync_copy(rows0, agg_sp.at[didx_v.at[CH - 1]], add=True)
    plsc.subcore_barrier()
    pltpu.sync_copy(agg_sp.at[pl.ds(s * RT, RT)],
                    out_hbm.at[c].at[pl.ds(s * RT, RT)])


@jax.jit
def _agg_call(u, src3d, dst3d):
    return pl.kernel(
        _agg_body,
        out_type=jax.ShapeDtypeStruct((2, NPAD, HH), jnp.float32),
        mesh=_sc_mesh(),
        scratch_types=[
            pltpu.VMEM((CH, K), jnp.int32),
            pltpu.VMEM((CH, K), jnp.int32),
            pltpu.VMEM((K, HH), jnp.float32),
            pltpu.VMEM((K, HH), jnp.float32),
            pltpu.VMEM((16, HH), jnp.float32),
            pltpu.VMEM_SHARED((NPAD, HH), jnp.float32),
            pltpu.SemaphoreType.DMA,
            pltpu.SemaphoreType.DMA,
        ],
        compiler_params=_SC_PARAMS,
    )(u, src3d, dst3d)


def _mm1_body(x_ref, w_ref, deg_ref, u_ref, dinv_ref):
    dinv = lax.rsqrt(jnp.maximum(deg_ref[...] + 1.0, 1.0))
    h = jnp.dot(x_ref[...], w_ref[...], preferred_element_type=jnp.float32)
    dinv_b = jnp.broadcast_to(dinv, (RB, HH))
    u_ref[...] = h * dinv_b
    dinv_ref[...] = dinv_b


@jax.jit
def _mm1_call(x, W1, degsum):
    return pl.pallas_call(
        _mm1_body,
        grid=(NN // RB,),
        in_specs=[
            pl.BlockSpec((RB, DIN), lambda i: (i, 0)),
            pl.BlockSpec((DIN, HH), lambda i: (0, 0)),
            pl.BlockSpec((RB, 1), lambda i: (i, 0)),
        ],
        out_specs=[
            pl.BlockSpec((RB, HH), lambda i: (i, 0)),
            pl.BlockSpec((RB, HH), lambda i: (i, 0)),
        ],
        out_shape=[
            jax.ShapeDtypeStruct((NN, HH), jnp.float32),
            jax.ShapeDtypeStruct((NN, HH), jnp.float32),
        ],
    )(x, W1, degsum)


def _post1_body(agg_ref, u_ref, dinv_ref, g_ref, beta_ref, b_ref, w2_ref,
                h1_ref, u2_ref):
    sconst = np.float32(1.0 / np.sqrt(1.0 + BN_EPS_))
    sc = g_ref[...] * sconst
    agg = agg_ref[0] + agg_ref[1]
    y = dinv_ref[...] * (agg + u_ref[...])
    y = y * sc + (b_ref[...] * sc + beta_ref[...])
    h1 = jnp.maximum(y, 0.0)
    h1_ref[...] = h1
    h2 = jnp.dot(h1, w2_ref[...], preferred_element_type=jnp.float32)
    u2_ref[...] = dinv_ref[...] * h2


@jax.jit
def _post1_call(aggp, u1, dinv_bc, g1, beta1, b1, W2):
    return pl.pallas_call(
        _post1_body,
        grid=(NN // RB,),
        in_specs=[
            pl.BlockSpec((2, RB, HH), lambda i: (0, i, 0)),
            pl.BlockSpec((RB, HH), lambda i: (i, 0)),
            pl.BlockSpec((RB, HH), lambda i: (i, 0)),
            pl.BlockSpec((1, HH), lambda i: (0, 0)),
            pl.BlockSpec((1, HH), lambda i: (0, 0)),
            pl.BlockSpec((1, HH), lambda i: (0, 0)),
            pl.BlockSpec((HH, HH), lambda i: (0, 0)),
        ],
        out_specs=[
            pl.BlockSpec((RB, HH), lambda i: (i, 0)),
            pl.BlockSpec((RB, HH), lambda i: (i, 0)),
        ],
        out_shape=[
            jax.ShapeDtypeStruct((NN, HH), jnp.float32),
            jax.ShapeDtypeStruct((NN, HH), jnp.float32),
        ],
    )(aggp, u1, dinv_bc, g1, beta1, b1, W2)


def _final_body(agg_ref, u_ref, res_ref, dinv_ref, g_ref, beta_ref, b_ref,
                batch_ref, fc1w_ref, fc1b_ref, fc2w_ref, fc2b_ref,
                out_ref, acc, cnt):
    i = pl.program_id(0)

    @pl.when(i == 0)
    def _():
        acc[...] = jnp.zeros_like(acc)
        cnt[...] = jnp.zeros_like(cnt)

    sconst = np.float32(1.0 / np.sqrt(1.0 + BN_EPS_))
    sc = g_ref[...] * sconst
    agg = agg_ref[0] + agg_ref[1]
    y = dinv_ref[...] * (agg + u_ref[...])
    y = y * sc + (b_ref[...] * sc + beta_ref[...])
    h2 = jnp.maximum(y, 0.0) + res_ref[...]

    gids = lax.broadcasted_iota(jnp.int32, (1, GG), 1)
    pt = (batch_ref[...] == gids).astype(jnp.float32)
    acc[...] += lax.dot_general(pt, h2, (((0,), (0,)), ((), ())),
                                preferred_element_type=jnp.float32)
    ones_col = jnp.ones((RB, 1), jnp.float32)
    cnt[...] += lax.dot_general(pt, ones_col, (((0,), (0,)), ((), ())),
                                preferred_element_type=jnp.float32)

    @pl.when(i == pl.num_programs(0) - 1)
    def _():
        pooled = acc[...] / jnp.maximum(cnt[...], 1.0)
        z = jnp.dot(pooled, fc1w_ref[...], preferred_element_type=jnp.float32)
        z = jnp.maximum(z + fc1b_ref[...], 0.0)
        logits = jnp.dot(z, fc2w_ref[...], preferred_element_type=jnp.float32)
        logits = logits + fc2b_ref[...]
        m = jnp.max(logits, axis=1, keepdims=True)
        lse = jnp.log(jnp.sum(jnp.exp(logits - m), axis=1, keepdims=True)) + m
        out_ref[...] = logits - lse


@jax.jit
def _final_call(aggp, u2, h1res, dinv_bc, g2, beta2, b2, batch2d,
                fc1w, fc1b, fc2w, fc2b):
    return pl.pallas_call(
        _final_body,
        grid=(NN // RB,),
        in_specs=[
            pl.BlockSpec((2, RB, HH), lambda i: (0, i, 0)),
            pl.BlockSpec((RB, HH), lambda i: (i, 0)),
            pl.BlockSpec((RB, HH), lambda i: (i, 0)),
            pl.BlockSpec((RB, HH), lambda i: (i, 0)),
            pl.BlockSpec((1, HH), lambda i: (0, 0)),
            pl.BlockSpec((1, HH), lambda i: (0, 0)),
            pl.BlockSpec((1, HH), lambda i: (0, 0)),
            pl.BlockSpec((RB, 1), lambda i: (i, 0)),
            pl.BlockSpec((HH, HH), lambda i: (0, 0)),
            pl.BlockSpec((1, HH), lambda i: (0, 0)),
            pl.BlockSpec((HH, CC), lambda i: (0, 0)),
            pl.BlockSpec((1, CC), lambda i: (0, 0)),
        ],
        out_specs=pl.BlockSpec((GG, CC), lambda i: (0, 0)),
        out_shape=jax.ShapeDtypeStruct((GG, CC), jnp.float32),
        scratch_shapes=[
            pltpu.VMEM((GG, HH), jnp.float32),
            pltpu.VMEM((GG, 1), jnp.float32),
        ],
    )(aggp, u2, h1res, dinv_bc, g2, beta2, b2, batch2d,
      fc1w, fc1b, fc2w, fc2b)


def kernel(x, W1, b1, g1, beta1, W2, b2, g2, beta2, fc1w, fc1b, fc2w, fc2b,
           edge_index, batch):
    src3d = edge_index[0].reshape(32, CH, K)
    dst3d = edge_index[1].reshape(32, CH, K)

    degp = _deg_call(dst3d)
    degsum = (degp[0, :NN] + degp[1, :NN]).reshape(NN, 1)

    u1, dinv_bc = _mm1_call(x, W1, degsum)

    aggp1 = _agg_call(u1, src3d, dst3d)
    h1, u2 = _post1_call(aggp1, u1, dinv_bc,
                         g1.reshape(1, HH), beta1.reshape(1, HH),
                         b1.reshape(1, HH), W2)

    aggp2 = _agg_call(u2, src3d, dst3d)
    out = _final_call(aggp2, u2, h1, dinv_bc,
                      g2.reshape(1, HH), beta2.reshape(1, HH),
                      b2.reshape(1, HH), batch.reshape(NN, 1),
                      fc1w, fc1b.reshape(1, HH), fc2w, fc2b.reshape(1, CC))
    return out

# --- scband reference (transcript-rebuilt; emitter-appended) ---
"""Pipeline reference for scband-gcnwith-pooling-73787538145377 (READ-ONLY COPY).

The authoritative reference and input builder live on the scoring server;
editing this copy changes nothing except your own understanding.
"""

import jax, jax.numpy as jnp
import numpy as np

N = 10000
E = 320000
D_IN = 128
H = 64
C = 2
G = 64
BN_EPS = 1e-5


def setup_inputs(seed: int = 0) -> dict:
    key = jax.random.key(seed)
    ks = jax.random.split(key, 16)
    x = jax.random.normal(ks[0], (N, D_IN), dtype=jnp.float32)
    edge_index = jax.random.randint(ks[1], (2, E), 0, N, dtype=jnp.int32)
    batch = jnp.sort(jax.random.randint(ks[2], (N,), 0, G, dtype=jnp.int32))
    W1 = jax.random.normal(ks[3], (D_IN, H), dtype=jnp.float32) * (1.0 / np.sqrt(D_IN))
    b1 = jnp.zeros((H,), dtype=jnp.float32)
    g1 = jnp.ones((H,), dtype=jnp.float32)
    beta1 = jnp.zeros((H,), dtype=jnp.float32)
    W2 = jax.random.normal(ks[4], (H, H), dtype=jnp.float32) * (1.0 / np.sqrt(H))
    b2 = jnp.zeros((H,), dtype=jnp.float32)
    g2 = jnp.ones((H,), dtype=jnp.float32)
    beta2 = jnp.zeros((H,), dtype=jnp.float32)
    fc1w = jax.random.normal(ks[5], (H, H), dtype=jnp.float32) * (1.0 / np.sqrt(H))
    fc1b = jnp.zeros((H,), dtype=jnp.float32)
    fc2w = jax.random.normal(ks[6], (H, C), dtype=jnp.float32) * (1.0 / np.sqrt(H))
    fc2b = jnp.zeros((C,), dtype=jnp.float32)
    return {"x": x, "W1": W1, "b1": b1, "g1": g1, "beta1": beta1,
            "W2": W2, "b2": b2, "g2": g2, "beta2": beta2,
            "fc1w": fc1w, "fc1b": fc1b, "fc2w": fc2w, "fc2b": fc2b,
            "edge_index": edge_index, "batch": batch}


def _gcn_conv(x, edge_index, W, b):
    # PyG GCNConv: add self loops, symmetric normalization, aggregate at dst
    n = x.shape[0]
    loop = jnp.arange(n, dtype=edge_index.dtype)
    src = jnp.concatenate([edge_index[0], loop])
    dst = jnp.concatenate([edge_index[1], loop])
    h = x @ W
    deg = jnp.zeros((n,), dtype=x.dtype).at[dst].add(1.0)
    dinv = 1.0 / jnp.sqrt(jnp.maximum(deg, 1.0))
    norm = dinv[src] * dinv[dst]
    msg = h[src] * norm[:, None]
    out = jnp.zeros((n, h.shape[1]), dtype=x.dtype).at[dst].add(msg)
    return out + b


def _bn_eval(x, gamma, beta):
    # BatchNorm1d in eval mode with running_mean=0, running_var=1
    return x * (gamma / jnp.sqrt(1.0 + BN_EPS)) + beta


def _global_mean_pool(x, batch, num_graphs):
    s = jnp.zeros((num_graphs, x.shape[1]), dtype=x.dtype).at[batch].add(x)
    cnt = jnp.zeros((num_graphs,), dtype=x.dtype).at[batch].add(1.0)
    return s / jnp.maximum(cnt, 1.0)[:, None]


def reference(x, W1, b1, g1, beta1, W2, b2, g2, beta2, fc1w, fc1b, fc2w, fc2b, edge_index, batch):
    # layer 0 (no residual for i==0)
    h = _gcn_conv(x, edge_index, W1, b1)
    h = _bn_eval(h, g1, beta1)
    h = jax.nn.relu(h)  # dropout is identity in eval mode
    # layer 1 with residual
    res = h
    h2 = _gcn_conv(h, edge_index, W2, b2)
    h2 = _bn_eval(h2, g2, beta2)
    h2 = jax.nn.relu(h2)
    h2 = h2 + res
    # pooling_method 'topk' falls into the else branch: global_mean_pool
    graph_repr = _global_mean_pool(h2, batch, G)
    # classifier: Linear -> ReLU -> Dropout(eval) -> Linear
    z = jax.nn.relu(graph_repr @ fc1w + fc1b)
    logits = z @ fc2w + fc2b
    return jax.nn.log_softmax(logits, axis=1)

if __name__ == "__main__":
    import jax
    _d = setup_inputs()
    print(jax.jit(kernel)(*tuple(_d.values())))

</pallas_src>

<mosaic_0001>
#map = affine_map<(d0, d1) -> (0, 0, 0)>
#map1 = affine_map<(d0, d1) -> (0, 0)>
module attributes {stable_mosaic.version = 14 : i64} {
  func.func @_deg_body(%arg0: i32, %arg1: i32, %arg2: memref<32x125x80xi32, #tpu.memory_space<hbm>>, %arg3: memref<2x10240xf32, #tpu.memory_space<hbm>>, %arg4: memref<125x80xi32, #tpu.memory_space<vmem>>, %arg5: memref<80xf32, #tpu.memory_space<vmem>>, %arg6: memref<80xf32, #tpu.memory_space<vmem>>, %arg7: memref<10240xf32, #tpu.memory_space<vmem_shared>>) attributes {dimension_semantics = [#tpu.dimension_semantics<core_parallel>, #tpu.dimension_semantics<subcore_parallel>], iteration_bounds = array<i64: 2, 16>, scalar_prefetch = 0 : i64, scratch_operands = 4 : i64, tpu.core_type = #tpu.core_type<sc_vector_subcore>, window_params = [{transform_indices = #map}, {transform_indices = #map1}]} {
    %mul3A = arith.constant 2 : i32
    %mul3A_0 = arith.muli %arg1, %mul3A : i32
    %add3A = arith.addi %mul3A_0, %arg0 : i32
    %broadcast_in_dim3A = arith.constant 1.000000e+00 : f32
    %broadcast_in_dim3A_1 = vector.broadcast %broadcast_in_dim3A : f32 to vector<16xf32>
    %swap3A = arith.constant 0 : index
    %swap3A_2 = tpu.vector_load %arg5[%swap3A] {strides = array<i32>} : memref<80xf32, #tpu.memory_space<vmem>>, vector<16xf32>,
    %swap3A_3 = vector.shape_cast %swap3A_2 : vector<16xf32> to vector<16xf32>
    %swap3A_4 = vector.shape_cast %broadcast_in_dim3A_1 : vector<16xf32> to vector<16xf32>
    tpu.vector_store %arg5[%swap3A], %swap3A_4 {strides = array<i32>} : memref<80xf32, #tpu.memory_space<vmem>>, vector<16xf32>,
    %broadcast_in_dim3A_5 = arith.constant 0.000000e+00 : f32
    %broadcast_in_dim3A_6 = vector.broadcast %broadcast_in_dim3A_5 : f32 to vector<16xf32>
    %swap3A_7 = arith.constant 0 : index
    %swap3A_8 = tpu.vector_load %arg6[%swap3A_7] {strides = array<i32>} : memref<80xf32, #tpu.memory_space<vmem>>, vector<16xf32>,
    %swap3A_9 = vector.shape_cast %swap3A_8 : vector<16xf32> to vector<16xf32>
    %swap3A_10 = vector.shape_cast %broadcast_in_dim3A_6 : vector<16xf32> to vector<16xf32>
    tpu.vector_store %arg6[%swap3A_7], %swap3A_10 {strides = array<i32>} : memref<80xf32, #tpu.memory_space<vmem>>, vector<16xf32>,
    %broadcast_in_dim3A_11 = arith.constant 1.000000e+00 : f32
    %broadcast_in_dim3A_12 = vector.broadcast %broadcast_in_dim3A_11 : f32 to vector<16xf32>
    %swap3A_13 = arith.constant 16 : index
    %swap3A_14 = tpu.vector_load %arg5[%swap3A_13] {strides = array<i32>} : memref<80xf32, #tpu.memory_space<vmem>>, vector<16xf32>,
    %swap3A_15 = vector.shape_cast %swap3A_14 : vector<16xf32> to vector<16xf32>
    %swap3A_16 = vector.shape_cast %broadcast_in_dim3A_12 : vector<16xf32> to vector<16xf32>
    tpu.vector_store %arg5[%swap3A_13], %swap3A_16 {strides = array<i32>} : memref<80xf32, #tpu.memory_space<vmem>>, vector<16xf32>,
    %broadcast_in_dim3A_17 = arith.constant 0.000000e+00 : f32
    %broadcast_in_dim3A_18 = vector.broadcast %broadcast_in_dim3A_17 : f32 to vector<16xf32>
    %swap3A_19 = arith.constant 16 : index
    %swap3A_20 = tpu.vector_load %arg6[%swap3A_19] {strides = array<i32>} : memref<80xf32, #tpu.memory_space<vmem>>, vector<16xf32>,
    %swap3A_21 = vector.shape_cast %swap3A_20 : vector<16xf32> to vector<16xf32>
    %swap3A_22 = vector.shape_cast %broadcast_in_dim3A_18 : vector<16xf32> to vector<16xf32>
    tpu.vector_store %arg6[%swap3A_19], %swap3A_22 {strides = array<i32>} : memref<80xf32, #tpu.memory_space<vmem>>, vector<16xf32>,
    %broadcast_in_dim3A_23 = arith.constant 1.000000e+00 : f32
    %broadcast_in_dim3A_24 = vector.broadcast %broadcast_in_dim3A_23 : f32 to vector<16xf32>
    %swap3A_25 = arith.constant 32 : index
    %swap3A_26 = tpu.vector_load %arg5[%swap3A_25] {strides = array<i32>} : memref<80xf32, #tpu.memory_space<vmem>>, vector<16xf32>,
    %swap3A_27 = vector.shape_cast %swap3A_26 : vector<16xf32> to vector<16xf32>
    %swap3A_28 = vector.shape_cast %broadcast_in_dim3A_24 : vector<16xf32> to vector<16xf32>
    tpu.vector_store %arg5[%swap3A_25], %swap3A_28 {strides = array<i32>} : memref<80xf32, #tpu.memory_space<vmem>>, vector<16xf32>,
    %broadcast_in_dim3A_29 = arith.constant 0.000000e+00 : f32
    %broadcast_in_dim3A_30 = vector.broadcast %broadcast_in_dim3A_29 : f32 to vector<16xf32>
    %swap3A_31 = arith.constant 32 : index
    %swap3A_32 = tpu.vector_load %arg6[%swap3A_31] {strides = array<i32>} : memref<80xf32, #tpu.memory_space<vmem>>, vector<16xf32>,
    %swap3A_33 = vector.shape_cast %swap3A_32 : vector<16xf32> to vector<16xf32>
    %swap3A_34 = vector.shape_cast %broadcast_in_dim3A_30 : vector<16xf32> to vector<16xf32>
    tpu.vector_store %arg6[%swap3A_31], %swap3A_34 {strides = array<i32>} : memref<80xf32, #tpu.memory_space<vmem>>, vector<16xf32>,
    %broadcast_in_dim3A_35 = arith.constant 1.000000e+00 : f32
    %broadcast_in_dim3A_36 = vector.broadcast %broadcast_in_dim3A_35 : f32 to vector<16xf32>
    %swap3A_37 = arith.constant 48 : index
    %swap3A_38 = tpu.vector_load %arg5[%swap3A_37] {strides = array<i32>} : memref<80xf32, #tpu.memory_space<vmem>>, vector<16xf32>,
    %swap3A_39 = vector.shape_cast %swap3A_38 : vector<16xf32> to vector<16xf32>
    %swap3A_40 = vector.shape_cast %broadcast_in_dim3A_36 : vector<16xf32> to vector<16xf32>
    tpu.vector_store %arg5[%swap3A_37], %swap3A_40 {strides = array<i32>} : memref<80xf32, #tpu.memory_space<vmem>>, vector<16xf32>,
    %broadcast_in_dim3A_41 = arith.constant 0.000000e+00 : f32
    %broadcast_in_dim3A_42 = vector.broadcast %broadcast_in_dim3A_41 : f32 to vector<16xf32>
    %swap3A_43 = arith.constant 48 : index
    %swap3A_44 = tpu.vector_load %arg6[%swap3A_43] {strides = array<i32>} : memref<80xf32, #tpu.memory_space<vmem>>, vector<16xf32>,
    %swap3A_45 = vector.shape_cast %swap3A_44 : vector<16xf32> to vector<16xf32>
    %swap3A_46 = vector.shape_cast %broadcast_in_dim3A_42 : vector<16xf32> to vector<16xf32>
    tpu.vector_store %arg6[%swap3A_43], %swap3A_46 {strides = array<i32>} : memref<80xf32, #tpu.memory_space<vmem>>, vector<16xf32>,
    %broadcast_in_dim3A_47 = arith.constant 1.000000e+00 : f32
    %broadcast_in_dim3A_48 = vector.broadcast %broadcast_in_dim3A_47 : f32 to vector<16xf32>
    %swap3A_49 = arith.constant 64 : index
    %swap3A_50 = tpu.vector_load %arg5[%swap3A_49] {strides = array<i32>} : memref<80xf32, #tpu.memory_space<vmem>>, vector<16xf32>,
    %swap3A_51 = vector.shape_cast %swap3A_50 : vector<16xf32> to vector<16xf32>
    %swap3A_52 = vector.shape_cast %broadcast_in_dim3A_48 : vector<16xf32> to vector<16xf32>
    tpu.vector_store %arg5[%swap3A_49], %swap3A_52 {strides = array<i32>} : memref<80xf32, #tpu.memory_space<vmem>>, vector<16xf32>,
    %broadcast_in_dim3A_53 = arith.constant 0.000000e+00 : f32
    %broadcast_in_dim3A_54 = vector.broadcast %broadcast_in_dim3A_53 : f32 to vector<16xf32>
    %swap3A_55 = arith.constant 64 : index
    %swap3A_56 = tpu.vector_load %arg6[%swap3A_55] {strides = array<i32>} : memref<80xf32, #tpu.memory_space<vmem>>, vector<16xf32>,
    %swap3A_57 = vector.shape_cast %swap3A_56 : vector<16xf32> to vector<16xf32>
    %swap3A_58 = vector.shape_cast %broadcast_in_dim3A_54 : vector<16xf32> to vector<16xf32>
    tpu.vector_store %arg6[%swap3A_55], %swap3A_58 {strides = array<i32>} : memref<80xf32, #tpu.memory_space<vmem>>, vector<16xf32>,
    %mul3A_59 = arith.constant 640 : i32
    %mul3A_60 = arith.muli %arg1, %mul3A_59 : i32
    %add3A_61 = arith.constant 0 : i32
    %add3A_62 = arith.addi %mul3A_60, %add3A_61 : i32
    "tpu.region"() ({
      %run_scoped3A = tpu.sem_alloc : memref<!tpu.dma_semaphore, #tpu.memory_space<semaphore_mem>>
      %dma_start3A = tpu.memref_slice %arg7[%add3A_62] : memref<10240xf32, #tpu.memory_space<vmem_shared>> -> memref<80xf32, #tpu.memory_space<vmem_shared>>
      %dma_start3A_101 = tpu.memref_slice %arg7[%add3A_62] : memref<10240xf32, #tpu.memory_space<vmem_shared>> -> memref<80xf32, #tpu.memory_space<vmem_shared>>
      tpu.enqueue_dma source(%arg6 : memref<80xf32, #tpu.memory_space<vmem>>) target(%dma_start3A_101 : memref<80xf32, #tpu.memory_space<vmem_shared>>) target_semaphore(%run_scoped3A : memref<!tpu.dma_semaphore, #tpu.memory_space<semaphore_mem>>)
      %dma_wait3A = tpu.memref_slice %arg7[%add3A_62] : memref<10240xf32, #tpu.memory_space<vmem_shared>> -> memref<80xf32, #tpu.memory_space<vmem_shared>>
      %dma_wait3A_102 = tpu.memref_slice %arg7[%add3A_62] : memref<10240xf32, #tpu.memory_space<vmem_shared>> -> memref<80xf32, #tpu.memory_space<vmem_shared>>
      tpu.wait_dma2 semaphore(%run_scoped3A : memref<!tpu.dma_semaphore, #tpu.memory_space<semaphore_mem>>) src(%arg6 : memref<80xf32, #tpu.memory_space<vmem>>) dst(%dma_wait3A_102 : memref<80xf32, #tpu.memory_space<vmem_shared>>)
      tpu.yield
    }) : () -> ()
    %mul3A_63 = arith.constant 640 : i32
    %mul3A_64 = arith.muli %arg1, %mul3A_63 : i32
    %add3A_65 = arith.constant 80 : i32
    %add3A_66 = arith.addi %mul3A_64, %add3A_65 : i32
    "tpu.region"() ({
      %run_scoped3A = tpu.sem_alloc : memref<!tpu.dma_semaphore, #tpu.memory_space<semaphore_mem>>
      %dma_start3A = tpu.memref_slice %arg7[%add3A_66] : memref<10240xf32, #tpu.memory_space<vmem_shared>> -> memref<80xf32, #tpu.memory_space<vmem_shared>>
      %dma_start3A_101 = tpu.memref_slice %arg7[%add3A_66] : memref<10240xf32, #tpu.memory_space<vmem_shared>> -> memref<80xf32, #tpu.memory_space<vmem_shared>>
      tpu.enqueue_dma source(%arg6 : memref<80xf32, #tpu.memory_space<vmem>>) target(%dma_start3A_101 : memref<80xf32, #tpu.memory_space<vmem_shared>>) target_semaphore(%run_scoped3A : memref<!tpu.dma_semaphore, #tpu.memory_space<semaphore_mem>>)
      %dma_wait3A = tpu.memref_slice %arg7[%add3A_66] : memref<10240xf32, #tpu.memory_space<vmem_shared>> -> memref<80xf32, #tpu.memory_space<vmem_shared>>
      %dma_wait3A_102 = tpu.memref_slice %arg7[%add3A_66] : memref<10240xf32, #tpu.memory_space<vmem_shared>> -> memref<80xf32, #tpu.memory_space<vmem_shared>>
      tpu.wait_dma2 semaphore(%run_scoped3A : memref<!tpu.dma_semaphore, #tpu.memory_space<semaphore_mem>>) src(%arg6 : memref<80xf32, #tpu.memory_space<vmem>>) dst(%dma_wait3A_102 : memref<80xf32, #tpu.memory_space<vmem_shared>>)
      tpu.yield
    }) : () -> ()
    %mul3A_67 = arith.constant 640 : i32
    %mul3A_68 = arith.muli %arg1, %mul3A_67 : i32
    %add3A_69 = arith.constant 160 : i32
    %add3A_70 = arith.addi %mul3A_68, %add3A_69 : i32
    "tpu.region"() ({
      %run_scoped3A = tpu.sem_alloc : memref<!tpu.dma_semaphore, #tpu.memory_space<semaphore_mem>>
      %dma_start3A = tpu.memref_slice %arg7[%add3A_70] : memref<10240xf32, #tpu.memory_space<vmem_shared>> -> memref<80xf32, #tpu.memory_space<vmem_shared>>
      %dma_start3A_101 = tpu.memref_slice %arg7[%add3A_70] : memref<10240xf32, #tpu.memory_space<vmem_shared>> -> memref<80xf32, #tpu.memory_space<vmem_shared>>
      tpu.enqueue_dma source(%arg6 : memref<80xf32, #tpu.memory_space<vmem>>) target(%dma_start3A_101 : memref<80xf32, #tpu.memory_space<vmem_shared>>) target_semaphore(%run_scoped3A : memref<!tpu.dma_semaphore, #tpu.memory_space<semaphore_mem>>)
      %dma_wait3A = tpu.memref_slice %arg7[%add3A_70] : memref<10240xf32, #tpu.memory_space<vmem_shared>> -> memref<80xf32, #tpu.memory_space<vmem_shared>>
      %dma_wait3A_102 = tpu.memref_slice %arg7[%add3A_70] : memref<10240xf32, #tpu.memory_space<vmem_shared>> -> memref<80xf32, #tpu.memory_space<vmem_shared>>
      tpu.wait_dma2 semaphore(%run_scoped3A : memref<!tpu.dma_semaphore, #tpu.memory_space<semaphore_mem>>) src(%arg6 : memref<80xf32, #tpu.memory_space<vmem>>) dst(%dma_wait3A_102 : memref<80xf32, #tpu.memory_space<vmem_shared>>)
      tpu.yield
    }) : () -> ()
    %mul3A_71 = arith.constant 640 : i32
    %mul3A_72 = arith.muli %arg1, %mul3A_71 : i32
    %add3A_73 = arith.constant 240 : i32
    %add3A_74 = arith.addi %mul3A_72, %add3A_73 : i32
    "tpu.region"() ({
      %run_scoped3A = tpu.sem_alloc : memref<!tpu.dma_semaphore, #tpu.memory_space<semaphore_mem>>
      %dma_start3A = tpu.memref_slice %arg7[%add3A_74] : memref<10240xf32, #tpu.memory_space<vmem_shared>> -> memref<80xf32, #tpu.memory_space<vmem_shared>>
      %dma_start3A_101 = tpu.memref_slice %arg7[%add3A_74] : memref<10240xf32, #tpu.memory_space<vmem_shared>> -> memref<80xf32, #tpu.memory_space<vmem_shared>>
      tpu.enqueue_dma source(%arg6 : memref<80xf32, #tpu.memory_space<vmem>>) target(%dma_start3A_101 : memref<80xf32, #tpu.memory_space<vmem_shared>>) target_semaphore(%run_scoped3A : memref<!tpu.dma_semaphore, #tpu.memory_space<semaphore_mem>>)
      %dma_wait3A = tpu.memref_slice %arg7[%add3A_74] : memref<10240xf32, #tpu.memory_space<vmem_shared>> -> memref<80xf32, #tpu.memory_space<vmem_shared>>
      %dma_wait3A_102 = tpu.memref_slice %arg7[%add3A_74] : memref<10240xf32, #tpu.memory_space<vmem_shared>> -> memref<80xf32, #tpu.memory_space<vmem_shared>>
      tpu.wait_dma2 semaphore(%run_scoped3A : memref<!tpu.dma_semaphore, #tpu.memory_space<semaphore_mem>>) src(%arg6 : memref<80xf32, #tpu.memory_space<vmem>>) dst(%dma_wait3A_102 : memref<80xf32, #tpu.memory_space<vmem_shared>>)
      tpu.yield
    }) : () -> ()
    %mul3A_75 = arith.constant 640 : i32
    %mul3A_76 = arith.muli %arg1, %mul3A_75 : i32
    %add3A_77 = arith.constant 320 : i32
    %add3A_78 = arith.addi %mul3A_76, %add3A_77 : i32
    "tpu.region"() ({
      %run_scoped3A = tpu.sem_alloc : memref<!tpu.dma_semaphore, #tpu.memory_space<semaphore_mem>>
      %dma_start3A = tpu.memref_slice %arg7[%add3A_78] : memref<10240xf32, #tpu.memory_space<vmem_shared>> -> memref<80xf32, #tpu.memory_space<vmem_shared>>
      %dma_start3A_101 = tpu.memref_slice %arg7[%add3A_78] : memref<10240xf32, #tpu.memory_space<vmem_shared>> -> memref<80xf32, #tpu.memory_space<vmem_shared>>
      tpu.enqueue_dma source(%arg6 : memref<80xf32, #tpu.memory_space<vmem>>) target(%dma_start3A_101 : memref<80xf32, #tpu.memory_space<vmem_shared>>) target_semaphore(%run_scoped3A : memref<!tpu.dma_semaphore, #tpu.memory_space<semaphore_mem>>)
      %dma_wait3A = tpu.memref_slice %arg7[%add3A_78] : memref<10240xf32, #tpu.memory_space<vmem_shared>> -> memref<80xf32, #tpu.memory_space<vmem_shared>>
      %dma_wait3A_102 = tpu.memref_slice %arg7[%add3A_78] : memref<10240xf32, #tpu.memory_space<vmem_shared>> -> memref<80xf32, #tpu.memory_space<vmem_shared>>
      tpu.wait_dma2 semaphore(%run_scoped3A : memref<!tpu.dma_semaphore, #tpu.memory_space<semaphore_mem>>) src(%arg6 : memref<80xf32, #tpu.memory_space<vmem>>) dst(%dma_wait3A_102 : memref<80xf32, #tpu.memory_space<vmem_shared>>)
      tpu.yield
    }) : () -> ()
    %mul3A_79 = arith.constant 640 : i32
    %mul3A_80 = arith.muli %arg1, %mul3A_79 : i32
    %add3A_81 = arith.constant 400 : i32
    %add3A_82 = arith.addi %mul3A_80, %add3A_81 : i32
    "tpu.region"() ({
      %run_scoped3A = tpu.sem_alloc : memref<!tpu.dma_semaphore, #tpu.memory_space<semaphore_mem>>
      %dma_start3A = tpu.memref_slice %arg7[%add3A_82] : memref<10240xf32, #tpu.memory_space<vmem_shared>> -> memref<80xf32, #tpu.memory_space<vmem_shared>>
      %dma_start3A_101 = tpu.memref_slice %arg7[%add3A_82] : memref<10240xf32, #tpu.memory_space<vmem_shared>> -> memref<80xf32, #tpu.memory_space<vmem_shared>>
      tpu.enqueue_dma source(%arg6 : memref<80xf32, #tpu.memory_space<vmem>>) target(%dma_start3A_101 : memref<80xf32, #tpu.memory_space<vmem_shared>>) target_semaphore(%run_scoped3A : memref<!tpu.dma_semaphore, #tpu.memory_space<semaphore_mem>>)
      %dma_wait3A = tpu.memref_slice %arg7[%add3A_82] : memref<10240xf32, #tpu.memory_space<vmem_shared>> -> memref<80xf32, #tpu.memory_space<vmem_shared>>
      %dma_wait3A_102 = tpu.memref_slice %arg7[%add3A_82] : memref<10240xf32, #tpu.memory_space<vmem_shared>> -> memref<80xf32, #tpu.memory_space<vmem_shared>>
      tpu.wait_dma2 semaphore(%run_scoped3A : memref<!tpu.dma_semaphore, #tpu.memory_space<semaphore_mem>>) src(%arg6 : memref<80xf32, #tpu.memory_space<vmem>>) dst(%dma_wait3A_102 : memref<80xf32, #tpu.memory_space<vmem_shared>>)
      tpu.yield
    }) : () -> ()
    %mul3A_83 = arith.constant 640 : i32
    %mul3A_84 = arith.muli %arg1, %mul3A_83 : i32
    %add3A_85 = arith.constant 480 : i32
    %add3A_86 = arith.addi %mul3A_84, %add3A_85 : i32
    "tpu.region"() ({
      %run_scoped3A = tpu.sem_alloc : memref<!tpu.dma_semaphore, #tpu.memory_space<semaphore_mem>>
      %dma_start3A = tpu.memref_slice %arg7[%add3A_86] : memref<10240xf32, #tpu.memory_space<vmem_shared>> -> memref<80xf32, #tpu.memory_space<vmem_shared>>
      %dma_start3A_101 = tpu.memref_slice %arg7[%add3A_86] : memref<10240xf32, #tpu.memory_space<vmem_shared>> -> memref<80xf32, #tpu.memory_space<vmem_shared>>
      tpu.enqueue_dma source(%arg6 : memref<80xf32, #tpu.memory_space<vmem>>) target(%dma_start3A_101 : memref<80xf32, #tpu.memory_space<vmem_shared>>) target_semaphore(%run_scoped3A : memref<!tpu.dma_semaphore, #tpu.memory_space<semaphore_mem>>)
      %dma_wait3A = tpu.memref_slice %arg7[%add3A_86] : memref<10240xf32, #tpu.memory_space<vmem_shared>> -> memref<80xf32, #tpu.memory_space<vmem_shared>>
      %dma_wait3A_102 = tpu.memref_slice %arg7[%add3A_86] : memref<10240xf32, #tpu.memory_space<vmem_shared>> -> memref<80xf32, #tpu.memory_space<vmem_shared>>
      tpu.wait_dma2 semaphore(%run_scoped3A : memref<!tpu.dma_semaphore, #tpu.memory_space<semaphore_mem>>) src(%arg6 : memref<80xf32, #tpu.memory_space<vmem>>) dst(%dma_wait3A_102 : memref<80xf32, #tpu.memory_space<vmem_shared>>)
      tpu.yield
    }) : () -> ()
    %mul3A_87 = arith.constant 640 : i32
    %mul3A_88 = arith.muli %arg1, %mul3A_87 : i32
    %add3A_89 = arith.constant 560 : i32
    %add3A_90 = arith.addi %mul3A_88, %add3A_89 : i32
    "tpu.region"() ({
      %run_scoped3A = tpu.sem_alloc : memref<!tpu.dma_semaphore, #tpu.memory_space<semaphore_mem>>
      %dma_start3A = tpu.memref_slice %arg7[%add3A_90] : memref<10240xf32, #tpu.memory_space<vmem_shared>> -> memref<80xf32, #tpu.memory_space<vmem_shared>>
      %dma_start3A_101 = tpu.memref_slice %arg7[%add3A_90] : memref<10240xf32, #tpu.memory_space<vmem_shared>> -> memref<80xf32, #tpu.memory_space<vmem_shared>>
      tpu.enqueue_dma source(%arg6 : memref<80xf32, #tpu.memory_space<vmem>>) target(%dma_start3A_101 : memref<80xf32, #tpu.memory_space<vmem_shared>>) target_semaphore(%run_scoped3A : memref<!tpu.dma_semaphore, #tpu.memory_space<semaphore_mem>>)
      %dma_wait3A = tpu.memref_slice %arg7[%add3A_90] : memref<10240xf32, #tpu.memory_space<vmem_shared>> -> memref<80xf32, #tpu.memory_space<vmem_shared>>
      %dma_wait3A_102 = tpu.memref_slice %arg7[%add3A_90] : memref<10240xf32, #tpu.memory_space<vmem_shared>> -> memref<80xf32, #tpu.memory_space<vmem_shared>>
      tpu.wait_dma2 semaphore(%run_scoped3A : memref<!tpu.dma_semaphore, #tpu.memory_space<semaphore_mem>>) src(%arg6 : memref<80xf32, #tpu.memory_space<vmem>>) dst(%dma_wait3A_102 : memref<80xf32, #tpu.memory_space<vmem_shared>>)
      tpu.yield
    }) : () -> ()
    "tpu.region"() ({
      %run_scoped3A = tpu.sem_alloc : memref<!tpu.dma_semaphore, #tpu.memory_space<semaphore_mem>>
      %dma_start3A = arith.constant 0 : i32
      %dma_start3A_101 = arith.constant 0 : i32
      %dma_start3A_102 = tpu.memref_slice %arg2[%add3A, %dma_start3A, %dma_start3A_101] : memref<32x125x80xi32, #tpu.memory_space<hbm>> -> memref<1x125x80xi32, #tpu.memory_space<hbm>>
      %dma_start3A_103 = tpu.memref_squeeze %dma_start3A_102 : memref<1x125x80xi32, #tpu.memory_space<hbm>> -> memref<125x80xi32, #tpu.memory_space<hbm>>
      %dma_start3A_104 = arith.constant 0 : i32
      %dma_start3A_105 = arith.constant 0 : i32
      %dma_start3A_106 = tpu.memref_slice %arg2[%add3A, %dma_start3A_104, %dma_start3A_105] : memref<32x125x80xi32, #tpu.memory_space<hbm>> -> memref<1x125x80xi32, #tpu.memory_space<hbm>>
      %dma_start3A_107 = tpu.memref_squeeze %dma_start3A_106 : memref<1x125x80xi32, #tpu.memory_space<hbm>> -> memref<125x80xi32, #tpu.memory_space<hbm>>
      tpu.enqueue_dma source(%dma_start3A_107 : memref<125x80xi32, #tpu.memory_space<hbm>>) target(%arg4 : memref<125x80xi32, #tpu.memory_space<vmem>>) target_semaphore(%run_scoped3A : memref<!tpu.dma_semaphore, #tpu.memory_space<semaphore_mem>>)
      %dma_wait3A = arith.constant 0 : i32
      %dma_wait3A_108 = arith.constant 0 : i32
      %dma_wait3A_109 = tpu.memref_slice %arg2[%add3A, %dma_wait3A, %dma_wait3A_108] : memref<32x125x80xi32, #tpu.memory_space<hbm>> -> memref<1x125x80xi32, #tpu.memory_space<hbm>>
      %dma_wait3A_110 = tpu.memref_squeeze %dma_wait3A_109 : memref<1x125x80xi32, #tpu.memory_space<hbm>> -> memref<125x80xi32, #tpu.memory_space<hbm>>
      %dma_wait3A_111 = arith.constant 0 : i32
      %dma_wait3A_112 = arith.constant 0 : i32
      %dma_wait3A_113 = tpu.memref_slice %arg2[%add3A, %dma_wait3A_111, %dma_wait3A_112] : memref<32x125x80xi32, #tpu.memory_space<hbm>> -> memref<1x125x80xi32, #tpu.memory_space<hbm>>
      %dma_wait3A_114 = tpu.memref_squeeze %dma_wait3A_113 : memref<1x125x80xi32, #tpu.memory_space<hbm>> -> memref<125x80xi32, #tpu.memory_space<hbm>>
      tpu.wait_dma2 semaphore(%run_scoped3A : memref<!tpu.dma_semaphore, #tpu.memory_space<semaphore_mem>>) src(%dma_wait3A_114 : memref<125x80xi32, #tpu.memory_space<hbm>>) dst(%arg4 : memref<125x80xi32, #tpu.memory_space<vmem>>)
      tpu.yield
    }) : () -> ()
    %barrier3A = arith.constant 0 : index
    tpu.barrier barrier_id(%barrier3A)
    %scan3A = arith.constant 0 : i32
    %scan3A_91 = arith.constant 0 : i32
    %scan3A_92 = arith.constant 125 : i32
    %scan3A_93 = arith.addi %scan3A_91, %scan3A_92 : i32
    %scan3A_94 = arith.constant 1 : i32
    scf.for %scan3A_101 = %scan3A_91 to %scan3A_93 step %scan3A_94  : i32 {
      "tpu.region"() ({
        %run_scoped3A = tpu.sem_alloc : memref<!tpu.dma_semaphore, #tpu.memory_space<semaphore_mem>>
        %dma_start3A = arith.constant 0 : i32
        %dma_start3A_102 = tpu.memref_slice %arg4[%scan3A_101, %dma_start3A] : memref<125x80xi32, #tpu.memory_space<vmem>> -> memref<1x80xi32, #tpu.memory_space<vmem>>
        %dma_start3A_103 = tpu.memref_squeeze %dma_start3A_102 : memref<1x80xi32, #tpu.memory_space<vmem>> -> memref<80xi32, #tpu.memory_space<vmem>>
        %dma_start3A_104 = arith.constant 0 : i32
        %dma_start3A_105 = tpu.memref_slice %arg7[%dma_start3A_104] : memref<10240xf32, #tpu.memory_space<vmem_shared>> -> memref<10240xf32, #tpu.memory_space<vmem_shared>>
        tpu.enqueue_indirect_dma source(%arg5 : memref<80xf32, #tpu.memory_space<vmem>>) target(%dma_start3A_105 : memref<10240xf32, #tpu.memory_space<vmem_shared>>) offsets(%dma_start3A_103 : memref<80xi32, #tpu.memory_space<vmem>>) semaphore(%run_scoped3A : memref<!tpu.dma_semaphore, #tpu.memory_space<semaphore_mem>>) {add = true}
        %dma_wait3A = arith.constant 0 : i32
        %dma_wait3A_106 = tpu.memref_slice %arg4[%scan3A_101, %dma_wait3A] : memref<125x80xi32, #tpu.memory_space<vmem>> -> memref<1x80xi32, #tpu.memory_space<vmem>>
        %dma_wait3A_107 = tpu.memref_squeeze %dma_wait3A_106 : memref<1x80xi32, #tpu.memory_space<vmem>> -> memref<80xi32, #tpu.memory_space<vmem>>
        %dma_wait3A_108 = arith.constant 0 : i32
        %dma_wait3A_109 = tpu.memref_slice %arg7[%dma_wait3A_108] : memref<10240xf32, #tpu.memory_space<vmem_shared>> -> memref<10240xf32, #tpu.memory_space<vmem_shared>>
        tpu.wait_indirect_dma semaphore(%run_scoped3A : memref<!tpu.dma_semaphore, #tpu.memory_space<semaphore_mem>>) src(%arg5 : memref<80xf32, #tpu.memory_space<vmem>>) dst(%dma_wait3A_109 : memref<10240xf32, #tpu.memory_space<vmem_shared>>)
        tpu.yield
      }) : () -> ()
    }
    %scan3A_95 = arith.constant 125 : i32
    %barrier3A_96 = arith.constant 0 : index
    tpu.barrier barrier_id(%barrier3A_96)
    %mul3A_97 = arith.constant 640 : i32
    %mul3A_98 = arith.muli %arg1, %mul3A_97 : i32
    %mul3A_99 = arith.constant 640 : i32
    %mul3A_100 = arith.muli %arg1, %mul3A_99 : i32
    "tpu.region"() ({
      %run_scoped3A = tpu.sem_alloc : memref<!tpu.dma_semaphore, #tpu.memory_space<semaphore_mem>>
      %dma_start3A = arith.constant 0 : i32
      %dma_start3A_101 = tpu.memref_slice %arg3[%arg0, %dma_start3A] : memref<2x10240xf32, #tpu.memory_space<hbm>> -> memref<1x10240xf32, #tpu.memory_space<hbm>>
      %dma_start3A_102 = tpu.memref_squeeze %dma_start3A_101 : memref<1x10240xf32, #tpu.memory_space<hbm>> -> memref<10240xf32, #tpu.memory_space<hbm>>
      %dma_start3A_103 = tpu.memref_slice %dma_start3A_102[%mul3A_100] : memref<10240xf32, #tpu.memory_space<hbm>> -> memref<640xf32, #tpu.memory_space<hbm>>
      %dma_start3A_104 = tpu.memref_slice %arg7[%mul3A_98] : memref<10240xf32, #tpu.memory_space<vmem_shared>> -> memref<640xf32, #tpu.memory_space<vmem_shared>>
      tpu.enqueue_dma source(%dma_start3A_104 : memref<640xf32, #tpu.memory_space<vmem_shared>>) target(%dma_start3A_103 : memref<640xf32, #tpu.memory_space<hbm>>) target_semaphore(%run_scoped3A : memref<!tpu.dma_semaphore, #tpu.memory_space<semaphore_mem>>)
      %dma_wait3A = arith.constant 0 : i32
      %dma_wait3A_105 = tpu.memref_slice %arg3[%arg0, %dma_wait3A] : memref<2x10240xf32, #tpu.memory_space<hbm>> -> memref<1x10240xf32, #tpu.memory_space<hbm>>
      %dma_wait3A_106 = tpu.memref_squeeze %dma_wait3A_105 : memref<1x10240xf32, #tpu.memory_space<hbm>> -> memref<10240xf32, #tpu.memory_space<hbm>>
      %dma_wait3A_107 = tpu.memref_slice %dma_wait3A_106[%mul3A_100] : memref<10240xf32, #tpu.memory_space<hbm>> -> memref<640xf32, #tpu.memory_space<hbm>>
      %dma_wait3A_108 = tpu.memref_slice %arg7[%mul3A_98] : memref<10240xf32, #tpu.memory_space<vmem_shared>> -> memref<640xf32, #tpu.memory_space<vmem_shared>>
      tpu.wait_dma2 semaphore(%run_scoped3A : memref<!tpu.dma_semaphore, #tpu.memory_space<semaphore_mem>>) src(%dma_wait3A_108 : memref<640xf32, #tpu.memory_space<vmem_shared>>) dst(%dma_wait3A_107 : memref<640xf32, #tpu.memory_space<hbm>>)
      tpu.yield
    }) : () -> ()
    return
  }
}

</mosaic_0001>

<sc_bundles>
// kernel: _deg_call.3.cloned.1.call-start
scs
__scs_entry_jumppad:
0x0: {  	(pc) =	sbr.rel $0x88, $3  }
0x1: {  	(tag) =	ssettag $0x0;
	lr =	simm.s32 $0x1  }
0x2: {  	[smem:$0x3FA0] =	sst lr;
	_ =	strace $0xD0000000  }
0x3: {  	_ = 	snop  }
0x4: {  	_ = 	snop  }
0x5: {  	_ = 	snop  }
0x6: {  	_ = 	snop  }
0x7: {  	_ = 	snop  }
__scs_overlays_trampoline_lowered:
0x8: {  	[smem:$0x3FAF] =	sst s0  }
0x9: {  	[smem:$0x3FB0] =	sst s1  }
0xa: {  	[smem:$0x3FB1] =	sst s2  }
0xb: {  	[smem:$0x3FB2] =	sst s3  }
0xc: {  	[smem:$0x3FB3] =	sst s4  }
0xd: {  	[smem:$0x3FB4] =	sst s5  }
0xe: {  	[smem:$0x3FB5] =	sst s6  }
0xf: {  	[smem:$0x3FB6] =	sst s7  }
0x10: {  	[smem:$0x3FB7] =	sst s8  }
0x11: {  	[smem:$0x3FB8] =	sst s9;
	s0 =	simm.s32 @!p0 $0x0  }
0x12: {  	s1 =	sld [smem:$0x3F9E];
	s0 =	simm.s32 @p0 $0x1  }
0x13: {  	[smem:$0x3FB9] =	sst s0;
	s0 =	simm.s32 @!p1 $0x0  }
0x14: {  	s2 =	sld [smem:$0x3F9D];
	s0 =	simm.s32 @p1 $0x1  }
0x15: {  	[smem:$0x3FBA] =	sst s0;
	s0 =	simm.s32 @!p2 $0x0  }
0x16: {  	s3 =	sld [smem:$0x3FDB];
	s0 =	simm.s32 @p2 $0x1  }
0x17: {  	s4 =	simm.s32 $0x1BF5;
	[smem:$0x3FBC] =	sst s0  }
0x18: {  	s0 =	sld [smem:$0x3F9F];
	_ =	swait.ge [sflag:s4], $0x0  }
0x19: {  	s7 =	sld [smem:$0x3FA0]  }
0x1a: {  	s8 =	sadd.s32 $0xFFFFE003, lr  }
0x1b: {  	s9 =	sadd.s32 $0xFFFFFEF7, lr;
	s5 =	simm.s32 $0xFFFFFFFF;
	p2 =	slt.u32 s8, $0xFFFFF086  }
0x1c: {  	p1 =	slt.u32 s9, $0xF7A;
	s5 =	simm.s32 @!p2 $0x0  }
0x1d: {  	s5 =	simm.s32 @p1 $0x1;
	p0 =	seq.s32 s7, s2  }
0x1e: {  	s7 =	smul.u32 @!p0 $0xF7A, s2;
	p2 =	seq.s32 @!p0 s5, $0x0  }
0x1f: {  	s9 =	smul.u32 $0xF7A, s1;
	s8 =	simm.s32 @!p0 $0x1BF5;
	p2 =	por !p2, p0  }
0x20: {  	[sflag:s8] =	ssyncset.s32 @!p0 $0xFFFFF086;
	s6 =	sadd.s32 @!p0 s3, s7;
	s7 =	simm.s32 @!p0 $0x108  }
0x21: {  	s3 =	sadd.s32 s3, s9;
	s6 =	sadd.s32 @!p0 $0x88, s6;
	s7 =	simm.s32 @p2 $0x1082  }
0x22: {  	[simem:s7], [sflag:s8] =	dma.local @!p0 [hbm:s6], $0xF7A  }
0x23: {  	s9 =	sor.u32 $0xD0000000, s2;
	s6 =	simm.s32 $0x108;
	_ =	swait.ge @!p0 [sflag:s8], $0x0  }
0x24: {  	s3 =	sadd.s32 $0x88, s3;
	s6 =	simm.s32 @!p1 $0x1082;
	[sflag:s4] =	ssyncset.s32 $0xFFFFF086  }
0x25: {  	[simem:s6], [sflag:s4] =	dma.local [hbm:s3], $0xF7A  }
0x26: {  	[smem:$0x3FA0] =	sst s1;
	(tag) =	ssettag s2;
	_ =	strace s9  }
0x27: {  	s1 =	sld [smem:$0x3FB0]  }
0x28: {  	s2 =	sld [smem:$0x3FB1]  }
0x29: {  	s4 =	sld [smem:$0x3FB3]  }
0x2a: {  	p0 =	seq.s32 s5, $0x0;
	s5 =	sld [smem:$0x3FB4]  }
0x2b: {  	s6 =	sld [smem:$0x3FB5]  }
0x2c: {  	s7 =	sld [smem:$0x3FB6]  }
0x2d: {  	s3 =	simm.s32 $0x108;
	s8 =	sld [smem:$0x3FB7]  }
0x2e: {  	s3 =	simm.s32 @!p0 $0x1082;
	s9 =	sld [smem:$0x3FB8]  }
0x2f: {  	lr =	sadd.s32 s0, s3;
	s0 =	sld [smem:$0x3FAF]  }
0x30: {  	s3 =	sld [smem:$0x3FB2]  }
0x31: {  	[smem:$0x3FBB] =	sst s10  }
0x32: {  	s10 =	sld [smem:$0x3FB9];
	_ =	sdelay $0x3  }
0x33: {  	p0 =	seq.s32 s10, $0x1;
	s10 =	sld [smem:$0x3FBB];
	_ =	sdelay $0x3  }
0x34: {  	[smem:$0x3FBB] =	sst s10  }
0x35: {  	s10 =	sld [smem:$0x3FBA];
	_ =	sdelay $0x3  }
0x36: {  	p1 =	seq.s32 s10, $0x1;
	s10 =	sld [smem:$0x3FBB];
	_ =	sdelay $0x3  }
0x37: {  	[smem:$0x3FBB] =	sst s10  }
0x38: {  	s10 =	sld [smem:$0x3FBC]  }
0x39: {  	_ = 	snop;
	(pc) =	sbr.ind lr, $3  }
0x3a: {  	_ = 	snop  }
0x3b: {  	_ = 	snop  }
0x3c: {  	p2 =	seq.s32 s10, $0x1;
	s10 =	sld [smem:$0x3FBB]  }
0x3d: {  	_ =	shalt  }
0x3e: {  	_ =	shalt  }
0x3f: {  	_ =	shalt  }
0x40: {  	_ =	shalt  }
0x41: {  	_ =	shalt  }
0x42: {  	_ =	shalt  }
0x43: {  	_ =	shalt  }
0x44: {  	_ =	shalt  }
0x45: {  	_ =	shalt  }
0x46: {  	_ =	shalt  }
0x47: {  	_ =	shalt  }
0x48: {  	_ =	shalt  }
0x49: {  	_ =	shalt  }
0x4a: {  	_ =	shalt  }
0x4b: {  	_ =	shalt  }
0x4c: {  	_ =	shalt  }
0x4d: {  	_ =	shalt  }
0x4e: {  	_ =	shalt  }
0x4f: {  	_ =	shalt  }
0x50: {  	_ =	shalt  }
0x51: {  	_ =	shalt  }
0x52: {  	_ =	shalt  }
0x53: {  	_ =	shalt  }
0x54: {  	_ =	shalt  }
0x55: {  	_ =	shalt  }
0x56: {  	_ =	shalt  }
0x57: {  	_ =	shalt  }
0x58: {  	_ =	shalt  }
0x59: {  	_ =	shalt  }
0x5a: {  	_ =	shalt  }
0x5b: {  	_ =	shalt  }
0x5c: {  	_ =	shalt  }
0x5d: {  	_ =	shalt  }
0x5e: {  	_ =	shalt  }
0x5f: {  	_ =	shalt  }
0x60: {  	_ =	shalt  }
0x61: {  	_ =	shalt  }
0x62: {  	_ =	shalt  }
0x63: {  	_ =	shalt  }
0x64: {  	_ =	shalt  }
0x65: {  	_ =	shalt  }
0x66: {  	_ =	shalt  }
0x67: {  	_ =	shalt  }
0x68: {  	_ =	shalt  }
0x69: {  	_ =	shalt  }
0x6a: {  	_ =	shalt  }
0x6b: {  	_ =	shalt  }
0x6c: {  	_ =	shalt  }
0x6d: {  	_ =	shalt  }
0x6e: {  	_ =	shalt  }
0x6f: {  	_ =	shalt  }
0x70: {  	_ =	shalt  }
0x71: {  	_ =	shalt  }
0x72: {  	_ =	shalt  }
0x73: {  	_ =	shalt  }
0x74: {  	_ =	shalt  }
0x75: {  	_ =	shalt  }
0x76: {  	_ =	shalt  }
0x77: {  	_ =	shalt  }
0x78: {  	_ =	shalt  }
0x79: {  	_ =	shalt  }
0x7a: {  	_ =	shalt  }
0x7b: {  	_ =	shalt  }
0x7c: {  	_ =	shalt  }
0x7d: {  	_ =	shalt  }
0x7e: {  	_ =	shalt  }
0x7f: {  	_ =	shalt  }
0x80: {  	_ =	shalt  }
0x81: {  	_ =	shalt  }
0x82: {  	_ =	shalt  }
0x83: {  	_ =	shalt  }
0x84: {  	_ =	shalt  }
0x85: {  	_ =	shalt  }
0x86: {  	_ =	shalt  }
0x87: {  	_ =	shalt  }
.Lfunc_end0:
.L_simem_size_0:
called_computation_lowered:
.L_overlay_start_0:
0x88: {  	s2 =	sld [smem:$0x3FD9]  }
0x89: {  	s3 =	sld [smem:$0x3FFE];
	_ =	sdelay $0x1  }
0x8a: {  	s1 =	srdreg.scid  }
0x8b: {  	s0 =	sand.u32 $0x1, s1  }
0x8c: {  	s16 =	sshll.u32 s0, $0xA;
	s2 =	sadd.s32 s3, s2  }
0x8d: {  	s2 =	sadd.s32 s2, s16  }
0x8e: {  	[smem:$0x3FC7] =	sst s2  }
0x8f: {  	_ = 	snop  }
0x90: {  	(tm) =	ssettm $0x1  }
0x91: {  	s17 =	sld [smem:$0x3FFB];
	_ =	sdelay $0x3  }
0x92: {  	_ =	strace s17  }
0x93: {  	s2 =	sld [smem:$0x3FFC];
	_ =	sdelay $0x3  }
0x94: {  	_ =	strace s2  }
0x95: {  	s2 =	sld [smem:$0x3FFD];
	_ =	sdelay $0x3  }
0x96: {  	_ =	strace s2  }
0x97: {  	_ =	strace $0x8FFFFFFF  }
0x98: {  	s18 =	sld [smem:$0x3FDB];
	_ =	sdelay $0x1  }
0x99: {  	s19 =	simm.s32 $_scs_section_size  }
0x9a: {  	s4 =	simm.s32 $_size__tile_overlayer_lowered;
	s5 =	simm.s32 $_tile_overlayer_lowered  }
0x9b: {  	s22 =	simm.s32 $0x1BFF;
	s21 =	sshll.u32 s5, $0x1;
	s2 =	sadd.s32 s19, s18  }
0x9c: {  	s6 =	simm.s32 $0x0;
	s20 =	sshll.u32 s4, $0x1;
	s4 =	sadd.s32 s21, s2  }
0x9d: {  	[timem:s6], [sflag:s22] =	dma.local [hbm:s4], s20  }
0x9e: {  	_ =	swait.ge [sflag:s22], s20  }
0x9f: {  	s3 =	ssub.s32 $0x0, s20;
	[sflag:s22] =	ssyncset.done $0x0  }
0xa0: {  	[sflag:s22] =	ssyncadd.s32 s3;
	_ =	sdelay $0x1  }
0xa1: {  	s23 =	simm.s32 $0x1B8B  }
0xa2: {  	_ =	swait.ge [sflag:s23], $0x1  }
0xa3: {  	[sflag:s23] =	ssyncset.done $0x0  }
0xa4: {  	s25 =	simm.s32 $0x1B8E;
	s24 =	sld [smem:$0x3FFE];
	[sflag:s23] =	ssyncadd.s32 $0xFFFFFFFF  }
0xa5: {  	s26 =	simm.s32 $execute0_lowered;
	[smem:$0x3FD2] =	sst s25  }
0xa6: {  	s4 =	sshll.u32 s26, $0x1;
	_ =	strace $0x80000046;
	[dreg:$0x1] =	wrdreg $0xFFFFFFFF  }
0xa7: {  	s28 =	simm.s32 $_size_execute0_lowered;
	s2 =	sadd.s32 s2, s4;
	[dreg:$0x0] =	wrdreg $0x0  }
0xa8: {  	s4 =	sshll.u32 s28, $0x1;
	[dreg:$0x2] =	wrdreg s2  }
0xa9: {  	[dreg:$0x3] =	wrdreg s4  }
0xaa: {  	[dreg:$0x4] =	wrdreg $0xC0  }
0xab: {  	_ =	task [dreg:s6], $0x5FFFF  }
0xac: {  	[dreg:$0x1] =	wrdreg $0xFFFFFFFF  }
0xad: {  	[dreg:$0x0] =	wrdreg $0x60  }
0xae: {  	[dreg:$0x2] =	wrdreg s24  }
0xaf: {  	[dreg:$0x3] =	wrdreg $0x27B00  }
0xb0: {  	[dreg:$0x4] =	wrdreg $0x9  }
0xb1: {  	_ =	task.clear_ibuf [dreg:s6], $0x5FFFF;
	_ =	strace $0x90000046  }
0xb2: {  	s29 =	simm.s32 $0x9;
	_ =	strace $0x80000048  }
0xb3: {  	_ =	swait.ge [sflag:s29], $0x1  }
0xb4: {  	[sflag:s29] =	ssyncadd.s32 $0xFFFFFFFF  }
0xb5: {  	_ =	strace $0x90000048  }
0xb6: {  	_ =	sfence  }
0xb7: {  	s30 =	sld [smem:$0x0];
	_ =	sdelay $0x2  }
0xb8: {  	s31 =	sshll.u32 s1, $0xD;
	s1 =	sshrl.u32 s1, $0x2  }
0xb9: {  	s3 =	sand.u32 $0x4000, s31;
	s1 =	sadd.s32 s1, s30  }
0xba: {  	s0 =	sor.u32 s3, s0;
	s1 =	sshll.u32 s1, $0x11  }
0xbb: {  	s0 =	sor.u32 s1, s0  }
0xbc: {  	s0 =	sadd.s32 $0x8F2B, s0  }
0xbd: {  	[sflag:s0] =	ssyncadd.remote.s32 $0x1  }
0xbe: {  	_ =	sfence.sel $0xFFFF  }
0xbf: {  	[dreg:$0x0] =	wrdreg $0xFFFFFFFF;
	(pc) =	sbr.abs _section_cstart, $3  }
0xc0: {  	[dreg:$0x1] =	wrdreg $0xFFFFFFFF  }
0xc1: {  	_ =	task.clear_ibuf [dreg:s6], $0x2FFFF;
	_ =	strace $0x9FFFFFFF  }
0xc2: {  	(tm) =	ssettm $0x7FFFFFFF  }
0xc3: {  	_ =	shalt  }
tec
execute0_lowered:
.L_overlay_start_1:
0x0: {  	(tag) =	ssettag $0x1  }
0x1: {  	s1 =	srdreg.scid;
	s5 =	rddreg [dreg:$0x0]  }
0x2: {  	s0 =	stileid.u32;
	s2 =	rddreg [dreg:$0x1]  }
0x3: {  	s3 =	simm.s32 $0x0;
	s16 =	simm.s32 $0x50;
	s17 =	simm.s32 $0x2710  }
0x4: {  	s21 =	simm.s32 $0x0;
	s4 =	sand.u32 $0x1, s1;
	s28 =	sshll.u32 s0, $0x1  }
0x5: {  	[smem:$0x7FF] =	sst s3;
	s13 =	smul.u32 $0x280, s0;
	s31 =	sshll.u32 s0, $0x6  }
0x6: {  	s1 =	sor.u32 s4, s28;
	s7 =	smul.u32 $0x500, s4;
	s29 =	ssub.s32 $0x2, s4  }
0x7: {  	s6 =	smul.u32 $0x4E2, s1;
	s1 =	rddreg [dreg:$0x2];
	_ =	strace $0x80000047  }
0x8: {  	s30 =	sshrl.u32 s29, $0x1;
	s4 =	sadd.s32 s13, s2;
	s19 =	sshrl.u32 s13, $0x3  }
0x9: {  	s14 =	sadd.s32 s7, s5;
	s15 =	ssub.s32 s29, s30;
	s7 =	sadd.s32 $0xF0, s4  }
0xa: {  	s8 =	sadd.s32 $0x140, s4;
	s9 =	sadd.s32 $0x190, s4;
	s10 =	sadd.s32 $0x1E0, s4  }
0xb: {  	s11 =	sadd.s32 $0x230, s4;
	s20 =	sshrl.u32 s4, $0x3;
	s12 =	sadd.s32 s6, s5  }
0xc: {  	s5 =	sadd.s32 $0x50, s4;
	s6 =	sadd.s32 $0xA0, s4;
	s18 =	sadd.s32 $0xA200, s14  }
0xd: {  	s13 =	smax.u32 s15, $0x1;
	s14 =	simm.s32 $0x2760;
	s15 =	simm.s32 $0x1  }
0xe: {  	v0 =	vimm.f32 $1.000000000e+00;
	v1 =	vimm.f32 $0.0e+00;
	s12 =	sadd.s32 $0x400, s12;
	s18 =	sadd.s32 s19, s18;
	s19 =	sor.u32 $0x1C01, s31  }
.LBB2_1:
0xf: {  	[tilespmem:$0x2710] =	vst v0  }
0x10: {  	[tilespmem:$0x2760] =	vst v1  }
0x11: {  	[tilespmem:$0x2720] =	vst v0  }
0x12: {  	[tilespmem:$0x2770] =	vst v1  }
0x13: {  	[tilespmem:$0x2730] =	vst v0  }
0x14: {  	[tilespmem:$0x2780] =	vst v1  }
0x15: {  	[tilespmem:$0x2740] =	vst v0  }
0x16: {  	[tilespmem:$0x2790] =	vst v1  }
0x17: {  	[tilespmem:$0x2750] =	vst v0  }
0x18: {  	[tilespmem:$0x27A0] =	vst v1  }
0x19: {  	[spmem:s4] =	stream.linear.scatter [tilespmem:s14], [sflag:$0x1], $0x50, $0x38;
	[tilespmem:$0x2A30] =	vst v63  }
0x1a: {  	_ =	swait.ge [sflag:s15], $0x50  }
0x1b: {  	[sflag:s15] =	ssyncset.done $0x0  }
0x1c: {  	[sflag:s15] =	ssyncadd.s32 $0xFFFFFFB0  }
0x1d: {  	[spmem:s5] =	stream.linear.scatter [tilespmem:s14], [sflag:$0x1], $0x50, $0x38;
	[tilespmem:$0x2A30] =	vst v63  }
0x1e: {  	_ =	swait.ge [sflag:s15], $0x50  }
0x1f: {  	[sflag:s15] =	ssyncset.done $0x0  }
0x20: {  	[sflag:s15] =	ssyncadd.s32 $0xFFFFFFB0  }
0x21: {  	[spmem:s6] =	stream.linear.scatter [tilespmem:s14], [sflag:$0x1], $0x50, $0x38;
	[tilespmem:$0x2A30] =	vst v63  }
0x22: {  	_ =	swait.ge [sflag:s15], $0x50  }
0x23: {  	[sflag:s15] =	ssyncset.done $0x0  }
0x24: {  	[sflag:s15] =	ssyncadd.s32 $0xFFFFFFB0  }
0x25: {  	[spmem:s7] =	stream.linear.scatter [tilespmem:s14], [sflag:$0x1], $0x50, $0x38;
	[tilespmem:$0x2A30] =	vst v63  }
0x26: {  	_ =	swait.ge [sflag:s15], $0x50  }
0x27: {  	[sflag:s15] =	ssyncset.done $0x0  }
0x28: {  	[sflag:s15] =	ssyncadd.s32 $0xFFFFFFB0  }
0x29: {  	[spmem:s8] =	stream.linear.scatter [tilespmem:s14], [sflag:$0x1], $0x50, $0x38;
	[tilespmem:$0x2A30] =	vst v63  }
0x2a: {  	_ =	swait.ge [sflag:s15], $0x50  }
0x2b: {  	[sflag:s15] =	ssyncset.done $0x0  }
0x2c: {  	[sflag:s15] =	ssyncadd.s32 $0xFFFFFFB0  }
0x2d: {  	[spmem:s9] =	stream.linear.scatter [tilespmem:s14], [sflag:$0x1], $0x50, $0x38;
	[tilespmem:$0x2A30] =	vst v63  }
0x2e: {  	_ =	swait.ge [sflag:s15], $0x50  }
0x2f: {  	[sflag:s15] =	ssyncset.done $0x0  }
0x30: {  	[sflag:s15] =	ssyncadd.s32 $0xFFFFFFB0  }
0x31: {  	[spmem:s10] =	stream.linear.scatter [tilespmem:s14], [sflag:$0x1], $0x50, $0x38;
	[tilespmem:$0x2A30] =	vst v63  }
0x32: {  	_ =	swait.ge [sflag:s15], $0x50  }
0x33: {  	[sflag:s15] =	ssyncset.done $0x0  }
0x34: {  	[sflag:s15] =	ssyncadd.s32 $0xFFFFFFB0  }
0x35: {  	[spmem:s11] =	stream.linear.scatter [tilespmem:s14], [sflag:$0x1], $0x50, $0x38;
	[tilespmem:$0x2A30] =	vst v63  }
0x36: {  	_ =	swait.ge [sflag:s15], $0x50  }
0x37: {  	[sflag:s15] =	ssyncset.done $0x0  }
0x38: {  	[sflag:s15] =	ssyncadd.s32 $0xFFFFFFB0  }
0x39: {  	[tilespmem:s3], [sflag:$0x1] =	stream.linear.gather [hbm4b:s12+s3], $0x2710, $0x38;
	[tilespmem:$0x2A30] =	vst v63  }
0x3a: {  	_ =	swait.ge [sflag:s15], $0x2710  }
0x3b: {  	[sflag:s15] =	ssyncset.done $0x0  }
0x3c: {  	[sflag:s15] =	ssyncadd.s32 $0xFFFFD8F0  }
0x3d: {  	s22 =	simm.s32 $0x0;
	[bflag:$0x0] =	sbarrier.arrive $0xFFFF  }
0x3e: {  	[spmem:s2] =	stream.indirect.scatter.add.f32 [tilespmem:s17], [sflag:$0x1], $0x1, s22, s16, $0xb8;
	[tilespmem:$0x2A30] =	vst v63  }
0x3f: {  	_ =	swait.ge [sflag:s15], $0x50  }
0x40: {  	s22 =	simm.s32 $0x140;
	[sflag:s15] =	ssyncset.done $0x0  }
.LBB2_2:
0x41: {  	s23 =	sshra.s32 s22, $0x2;
	[sflag:s15] =	ssyncadd.s32 $0xFFFFFFB0;
	p0 =	sne.s32 s22, $0x9B00  }
0x42: {  	[spmem:s2] =	stream.indirect.scatter.add.f32 [tilespmem:s17], [sflag:$0x1], $0x1, s23, s16, $0xb8;
	[tilespmem:$0x2A30] =	vst v63  }
.Ltmp0:
0x43: {  	_ = 	snop;
	(pc) =	sbr.rel @p0 .LBB2_2-.Ltmp0, $4  }
0x44: {  	_ = 	snop  }
0x45: {  	s22 =	sadd.s32 $0x140, s22  }
0x46: {  	_ =	swait.ge [sflag:s15], $0x50  }
0x47: {  	[sflag:s15] =	ssyncset.done $0x0  }
0x48: {  	s21 =	sadd.s32 $0x1, s21  }
0x49: {  	[sflag:s15] =	ssyncadd.s32 $0xFFFFFFB0;
	p0 =	sne.s32 s21, s13  }
.Ltmp1:
0x4a: {  	[bflag:$0x0] =	sbarrier.arrive $0xFFFF;
	(pc) =	sbr.rel @p0 .LBB2_1-.Ltmp1, $4  }
0x4b: {  	[hbm:s18], [sflag:s19] =	dma.local [spmem:s20], $0x50  }
0x4c: {  	_ =	swait.ge [sflag:s15], $0x50  }
0x4d: {  	[sflag:s15] =	ssyncset.done $0x0  }
0x4e: {  	[sflag:s15] =	ssyncadd.s32 $0xFFFFFFB0  }
0x4f: {  	_ =	sfence.sel $0x180000  }
0x50: {  	[bflag:$0x0] =	sbarrier.arrive $0xFFFF  }
0x51: {  	p0 =	sne.s32 s0, $0x0;
	_ =	strace $0x90000047  }
0x52: {  	s0 =	sadd.s32 @!p0 $0x100000, s1;
	[bflag:$0x2] =	sbarrier.arrive $0xFFFF  }
0x53: {  	[sflag:s0] =	ssyncadd.tile.s32 @!p0 $0x1;
	_ =	shalt  }
.Lfunc_end2:
_tile_overlayer_lowered:
.L_overlay_start_2:
0x54: {  	(tag) =	ssettag $0x2  }
0x55: {  	s0 =	rddreg [dreg:$0x0];
	s2 =	stileid.u32  }
0x56: {  	s1 =	rddreg [dreg:$0x1];
	p0 =	sne.s32 s2, $0x0  }
0x57: {  	s3 =	rddreg [dreg:$0x2];
	[bflag:$0x3] =	sbarrier.arrive $0xFFFF;
	s2 =	simm.s32 @!p0 $0x1C01  }
0x58: {  	[timem:s3], [sflag:s2] =	dma.local @!p0 [hbm:s0], s1  }
0x59: {  	s0 =	simm.s32 @!p0 $0x1  }
0x5a: {  	_ =	swait.ge @!p0 [sflag:s0], s1  }
0x5b: {  	s1 =	ssub.s32 @!p0 $0x0, s1;
	[sflag:s0] =	ssyncset.done @!p0 $0x0  }
0x5c: {  	[sflag:s0] =	ssyncadd.s32 @!p0 s1  }
0x5d: {  	[bflag:$0x3] =	sbarrier.arrive $0xFFFF  }
0x5e: {  	_ =	shalt  }

</sc_bundles>
